<compile_context>
chip_gen: v7x
topology: tpu7x:2x2x1
jax: 0.10.2.dev20260603
libtpu: 0.0.44.dev20260713+nightly
codegen_flags: <defaults>
</compile_context>

<pallas_src>
import functools

import jax
import jax.numpy as jnp
from jax import lax
from jax.experimental import pallas as pl
from jax.experimental.pallas import tpu as pltpu
from jax.experimental.pallas import tpu_sc as plsc

_B, _N = 4096, 50
_MAX_OUT = 4
_D = 64
_ROW = _MAX_OUT * _D
_NUM_EMB = 8

_NW = 32
_RW = (_B * _N) // _NW
_CHUNK = 128
_NCH = _RW // _CHUNK


def _sc_body(subs_hbm, mask_hbm, tab_hbm, out_hbm, cnt_hbm,
             sub_v, msk_v, idx2, cnt_v, rows_a, rows_b, sem_a, sem_b):
    wid = lax.axis_index("s") * 2 + lax.axis_index("c")
    base = wid * _RW

    pltpu.sync_copy(subs_hbm.at[pl.ds(base, _RW)], sub_v)
    pltpu.sync_copy(mask_hbm.at[pl.ds(base, _RW)], msk_v)

    def compute_grp(i, _):
        s = sub_v[pl.ds(i * 16, 16)]
        m = msk_v[pl.ds(i * 16, 16)]
        ids = jnp.minimum(jnp.maximum(s + 1, 0), _NUM_EMB - 1)
        eff = jnp.where(m > 0, ids, _NUM_EMB)
        c = i // 8
        o = (i % 8) * 16
        idx2[c, pl.ds(o, 16)] = eff
        cnt_v[pl.ds(i * 16, 16)] = m.astype(jnp.float32)
        return 0

    lax.fori_loop(0, _RW // 16, compute_grp, 0)
    pltpu.sync_copy(cnt_v, cnt_hbm.at[pl.ds(base, _RW)])

    def chunk(c, _):
        pltpu.async_copy(rows_a, out_hbm.at[pl.ds(base + c * _CHUNK, _CHUNK)],
                         sem_a)
        return 0

    lax.fori_loop(0, _NCH, chunk, 0)

    def drain(c, _):
        pltpu.make_async_copy(
            rows_a, out_hbm.at[pl.ds(base + c * _CHUNK, _CHUNK)], sem_a).wait()
        return 0

    lax.fori_loop(0, _NCH, drain, 0)


def kernel(subs, mask, embed_table):
    subs_flat = subs.reshape(_B * _N)
    mask_flat = mask.astype(jnp.int32).reshape(_B * _N)
    tab_aug = jnp.zeros((16, _ROW), jnp.float32)
    tab_aug = tab_aug.at[:_NUM_EMB, :_D].set(embed_table)

    mesh = plsc.VectorSubcoreMesh(core_axis_name="c", subcore_axis_name="s")
    run = functools.partial(
        pl.kernel, mesh=mesh,
        out_type=[
            jax.ShapeDtypeStruct((_B * _N, _ROW), jnp.float32),
            jax.ShapeDtypeStruct((_B * _N,), jnp.float32),
        ],
        scratch_types=[
            pltpu.VMEM((_RW,), jnp.int32),
            pltpu.VMEM((_RW,), jnp.int32),
            pltpu.VMEM((_NCH, _CHUNK), jnp.int32),
            pltpu.VMEM((_RW,), jnp.float32),
            pltpu.VMEM((_CHUNK, _ROW), jnp.float32),
            pltpu.VMEM((_CHUNK, _ROW), jnp.float32),
            pltpu.SemaphoreType.DMA,
            pltpu.SemaphoreType.DMA,
        ],
    )(_sc_body)
    buf, cnt = run(subs_flat, mask_flat, tab_aug)
    return buf.reshape(_B, _N, _MAX_OUT, _D), cnt.reshape(_B, _N)

# --- scband reference (transcript-rebuilt; emitter-appended) ---
"""Pipeline reference for scband-positional-prim-op-27144193310725 (READ-ONLY COPY).

The authoritative reference and input builder live on the scoring server;
editing this copy changes nothing except your own understanding.
"""

import jax, jax.numpy as jnp
import numpy as np

B, N = 4096, 50
MAX_OUT = 4
D_INNER = 64
NUM_EMB = 8

def setup_inputs(seed: int = 0) -> dict:
    key = jax.random.key(seed)
    k1, k2, k3 = jax.random.split(key, 3)
    subs = jax.random.randint(k1, (B, N), 0, 4, dtype=jnp.int32)
    mask = jax.random.randint(k2, (B, N), 0, 2, dtype=jnp.int32) > 0
    embed_table = jax.random.normal(k3, (NUM_EMB, D_INNER), dtype=jnp.float32) * 0.02
    return {"subs": subs, "mask": mask, "embed_table": embed_table}

def reference(subs, mask, embed_table):
    # action_ids = (subs + 1).clamp(0, num_embeddings - 1)
    action_ids = jnp.clip(subs + 1, 0, NUM_EMB - 1)
    # embedding lookup (gather)
    prim_vecs = jnp.take(embed_table, action_ids, axis=0)  # (B, N, d_inner)
    # buffer: zeros (B, N, max_out, d_inner); write slot 0 with masked prim vecs
    buffer = jnp.zeros((B, N, MAX_OUT, D_INNER), dtype=jnp.float32)
    buffer = buffer.at[:, :, 0, :].set(prim_vecs * mask[..., None].astype(jnp.float32))
    # count = zeros + mask.float()
    count = jnp.zeros((B, N), dtype=jnp.float32) + mask.astype(jnp.float32)
    return (buffer, count)

if __name__ == "__main__":
    import jax
    _d = setup_inputs()
    print(jax.jit(kernel)(*tuple(_d.values())))

</pallas_src>

<mosaic_0001>
#map = affine_map<(d0, d1) -> (0)>
#map1 = affine_map<(d0, d1) -> (0, 0)>
module attributes {stable_mosaic.version = 14 : i64} {
  func.func @_sc_body(%arg0: i32, %arg1: i32, %arg2: memref<204800xi32, #tpu.memory_space<hbm>>, %arg3: memref<204800xi32, #tpu.memory_space<hbm>>, %arg4: memref<16x256xf32, #tpu.memory_space<hbm>>, %arg5: memref<204800x256xf32, #tpu.memory_space<hbm>>, %arg6: memref<204800xf32, #tpu.memory_space<hbm>>, %arg7: memref<6400xi32, #tpu.memory_space<vmem>>, %arg8: memref<6400xi32, #tpu.memory_space<vmem>>, %arg9: memref<50x128xi32, #tpu.memory_space<vmem>>, %arg10: memref<6400xf32, #tpu.memory_space<vmem>>, %arg11: memref<128x256xf32, #tpu.memory_space<vmem>>, %arg12: memref<128x256xf32, #tpu.memory_space<vmem>>, %arg13: memref<!tpu.dma_semaphore, #tpu.memory_space<semaphore_mem>>, %arg14: memref<!tpu.dma_semaphore, #tpu.memory_space<semaphore_mem>>) attributes {dimension_semantics = [#tpu.dimension_semantics<core_parallel>, #tpu.dimension_semantics<subcore_parallel>], iteration_bounds = array<i64: 2, 16>, scalar_prefetch = 0 : i64, scratch_operands = 8 : i64, tpu.core_type = #tpu.core_type<sc_vector_subcore>, window_params = [{transform_indices = #map}, {transform_indices = #map}, {transform_indices = #map1}, {transform_indices = #map1}, {transform_indices = #map}]} {
    %mul3A = arith.constant 2 : i32
    %mul3A_0 = arith.muli %arg1, %mul3A : i32
    %add3A = arith.addi %mul3A_0, %arg0 : i32
    %mul3A_1 = arith.constant 6400 : i32
    %mul3A_2 = arith.muli %add3A, %mul3A_1 : i32
    "tpu.region"() ({
      %run_scoped3A = tpu.sem_alloc : memref<!tpu.dma_semaphore, #tpu.memory_space<semaphore_mem>>
      %dma_start3A = tpu.memref_slice %arg2[%mul3A_2] : memref<204800xi32, #tpu.memory_space<hbm>> -> memref<6400xi32, #tpu.memory_space<hbm>>
      %dma_start3A_23 = tpu.memref_slice %arg2[%mul3A_2] : memref<204800xi32, #tpu.memory_space<hbm>> -> memref<6400xi32, #tpu.memory_space<hbm>>
      tpu.enqueue_dma source(%dma_start3A_23 : memref<6400xi32, #tpu.memory_space<hbm>>) target(%arg7 : memref<6400xi32, #tpu.memory_space<vmem>>) target_semaphore(%run_scoped3A : memref<!tpu.dma_semaphore, #tpu.memory_space<semaphore_mem>>)
      %dma_wait3A = tpu.memref_slice %arg2[%mul3A_2] : memref<204800xi32, #tpu.memory_space<hbm>> -> memref<6400xi32, #tpu.memory_space<hbm>>
      %dma_wait3A_24 = tpu.memref_slice %arg2[%mul3A_2] : memref<204800xi32, #tpu.memory_space<hbm>> -> memref<6400xi32, #tpu.memory_space<hbm>>
      tpu.wait_dma2 semaphore(%run_scoped3A : memref<!tpu.dma_semaphore, #tpu.memory_space<semaphore_mem>>) src(%dma_wait3A_24 : memref<6400xi32, #tpu.memory_space<hbm>>) dst(%arg7 : memref<6400xi32, #tpu.memory_space<vmem>>)
      tpu.yield
    }) : () -> ()
    "tpu.region"() ({
      %run_scoped3A = tpu.sem_alloc : memref<!tpu.dma_semaphore, #tpu.memory_space<semaphore_mem>>
      %dma_start3A = tpu.memref_slice %arg3[%mul3A_2] : memref<204800xi32, #tpu.memory_space<hbm>> -> memref<6400xi32, #tpu.memory_space<hbm>>
      %dma_start3A_23 = tpu.memref_slice %arg3[%mul3A_2] : memref<204800xi32, #tpu.memory_space<hbm>> -> memref<6400xi32, #tpu.memory_space<hbm>>
      tpu.enqueue_dma source(%dma_start3A_23 : memref<6400xi32, #tpu.memory_space<hbm>>) target(%arg8 : memref<6400xi32, #tpu.memory_space<vmem>>) target_semaphore(%run_scoped3A : memref<!tpu.dma_semaphore, #tpu.memory_space<semaphore_mem>>)
      %dma_wait3A = tpu.memref_slice %arg3[%mul3A_2] : memref<204800xi32, #tpu.memory_space<hbm>> -> memref<6400xi32, #tpu.memory_space<hbm>>
      %dma_wait3A_24 = tpu.memref_slice %arg3[%mul3A_2] : memref<204800xi32, #tpu.memory_space<hbm>> -> memref<6400xi32, #tpu.memory_space<hbm>>
      tpu.wait_dma2 semaphore(%run_scoped3A : memref<!tpu.dma_semaphore, #tpu.memory_space<semaphore_mem>>) src(%dma_wait3A_24 : memref<6400xi32, #tpu.memory_space<hbm>>) dst(%arg8 : memref<6400xi32, #tpu.memory_space<vmem>>)
      tpu.yield
    }) : () -> ()
    %scan3A = arith.constant 0 : i32
    %scan3A_3 = arith.constant 0 : i32
    %scan3A_4 = arith.constant 400 : i32
    %scan3A_5 = arith.addi %scan3A_3, %scan3A_4 : i32
    %scan3A_6 = arith.constant 1 : i32
    %scan3A_7 = scf.for %scan3A_23 = %scan3A_3 to %scan3A_5 step %scan3A_6 iter_args(%scan3A_24 = %scan3A) -> (i32)  : i32 {
      %mul3A_25 = arith.constant 16 : i32
      %mul3A_26 = arith.muli %scan3A_23, %mul3A_25 : i32
      %get3A = arith.index_cast %mul3A_26 : i32 to index
      %get3A_27 = tpu.vector_load %arg7[%get3A] {strides = array<i32>} : memref<6400xi32, #tpu.memory_space<vmem>>, vector<16xi32>,
      %get3A_28 = vector.shape_cast %get3A_27 : vector<16xi32> to vector<16xi32>
      %mul3A_29 = arith.constant 16 : i32
      %mul3A_30 = arith.muli %scan3A_23, %mul3A_29 : i32
      %get3A_31 = arith.index_cast %mul3A_30 : i32 to index
      %get3A_32 = tpu.vector_load %arg8[%get3A_31] {strides = array<i32>} : memref<6400xi32, #tpu.memory_space<vmem>>, vector<16xi32>,
      %get3A_33 = vector.shape_cast %get3A_32 : vector<16xi32> to vector<16xi32>
      %add3A_34 = arith.constant 1 : i32
      %add3A_35 = vector.broadcast %add3A_34 : i32 to vector<16xi32>
      %add3A_36 = arith.addi %get3A_28, %add3A_35 : vector<16xi32>
      %max3A = arith.constant 0 : i32
      %max3A_37 = vector.broadcast %max3A : i32 to vector<16xi32>
      %max3A_38 = arith.maxsi %add3A_36, %max3A_37 : vector<16xi32>
      %min3A = arith.constant 7 : i32
      %min3A_39 = vector.broadcast %min3A : i32 to vector<16xi32>
      %min3A_40 = arith.minsi %max3A_38, %min3A_39 : vector<16xi32>
      %gt3A = arith.constant 0 : i32
      %gt3A_41 = vector.broadcast %gt3A : i32 to vector<16xi32>
      %gt3A_42 = arith.cmpi sgt, %get3A_33, %gt3A_41 : vector<16xi32>
      %jit3A = arith.constant 8 : i32
      %broadcast_in_dim3A = vector.broadcast %jit3A : i32 to vector<16xi32>
      %select_n3A = arith.select %gt3A_42, %min3A_40, %broadcast_in_dim3A : vector<16xi1>, vector<16xi32>
      %jit3A_43 = arith.constant 8 : i32
      %div3A = arith.divsi %scan3A_23, %jit3A_43 : i32
      %sign3A = arith.constant 0 : i32
      %sign3A_44 = arith.cmpi sgt, %scan3A_23, %sign3A : i32
      %sign3A_45 = arith.extui %sign3A_44 : i1 to i32
      %sign3A_46 = arith.constant 0 : i32
      %sign3A_47 = arith.cmpi slt, %scan3A_23, %sign3A_46 : i32
      %sign3A_48 = arith.extui %sign3A_47 : i1 to i32
      %sign3A_49 = arith.subi %sign3A_45, %sign3A_48 : i32
      %sign3A_50 = arith.constant 0 : i32
      %sign3A_51 = arith.cmpi sgt, %jit3A_43, %sign3A_50 : i32
      %sign3A_52 = arith.extui %sign3A_51 : i1 to i32
      %sign3A_53 = arith.constant 0 : i32
      %sign3A_54 = arith.cmpi slt, %jit3A_43, %sign3A_53 : i32
      %sign3A_55 = arith.extui %sign3A_54 : i1 to i32
      %sign3A_56 = arith.subi %sign3A_52, %sign3A_55 : i32
      %ne3A = arith.cmpi ne, %sign3A_49, %sign3A_56 : i32
      %rem3A = arith.remsi %scan3A_23, %jit3A_43 : i32
      %ne3A_57 = arith.constant 0 : i32
      %ne3A_58 = arith.cmpi ne, %rem3A, %ne3A_57 : i32
      %and3A = arith.andi %ne3A, %ne3A_58 : i1
      %sub3A = arith.constant 1 : i32
      %sub3A_59 = arith.subi %div3A, %sub3A : i32
      %select_n3A_60 = arith.select %and3A, %sub3A_59, %div3A : i32
      %jit3A_61 = arith.constant 8 : i32
      %eq3A = arith.constant 0 : i32
      %eq3A_62 = arith.cmpi eq, %jit3A_61, %eq3A : i32
      %jit3A_63 = arith.constant 1 : i32
      %select_n3A_64 = arith.select %eq3A_62, %jit3A_63, %jit3A_61 : i32
      %rem3A_65 = arith.remsi %scan3A_23, %select_n3A_64 : i32
      %ne3A_66 = arith.constant 0 : i32
      %ne3A_67 = arith.cmpi ne, %rem3A_65, %ne3A_66 : i32
      %lt3A = arith.constant 0 : i32
      %lt3A_68 = arith.cmpi slt, %rem3A_65, %lt3A : i32
      %lt3A_69 = arith.constant 0 : i32
      %lt3A_70 = arith.cmpi slt, %select_n3A_64, %lt3A_69 : i32
      %ne3A_71 = arith.xori %lt3A_68, %lt3A_70 : i1
      %and3A_72 = arith.andi %ne3A_71, %ne3A_67 : i1
      %add3A_73 = arith.addi %rem3A_65, %select_n3A_64 : i32
      %select_n3A_74 = arith.select %and3A_72, %add3A_73, %rem3A_65 : i32
      %mul3A_75 = arith.constant 16 : i32
      %mul3A_76 = arith.muli %select_n3A_74, %mul3A_75 : i32
      %swap3A = arith.index_cast %select_n3A_60 : i32 to index
      %swap3A_77 = arith.index_cast %mul3A_76 : i32 to index
      %swap3A_78 = tpu.vector_load %arg9[%swap3A, %swap3A_77] {strides = array<i32>} : memref<50x128xi32, #tpu.memory_space<vmem>>, vector<1x16xi32>,
      %swap3A_79 = vector.shape_cast %swap3A_78 : vector<1x16xi32> to vector<16xi32>
      %swap3A_80 = vector.shape_cast %select_n3A : vector<16xi32> to vector<1x16xi32>
      tpu.vector_store %arg9[%swap3A, %swap3A_77], %swap3A_80 {strides = array<i32>} : memref<50x128xi32, #tpu.memory_space<vmem>>, vector<1x16xi32>,
      %convert_element_type3A = arith.sitofp %get3A_33 : vector<16xi32> to vector<16xf32>
      %mul3A_81 = arith.constant 16 : i32
      %mul3A_82 = arith.muli %scan3A_23, %mul3A_81 : i32
      %swap3A_83 = arith.index_cast %mul3A_82 : i32 to index
      %swap3A_84 = tpu.vector_load %arg10[%swap3A_83] {strides = array<i32>} : memref<6400xf32, #tpu.memory_space<vmem>>, vector<16xf32>,
      %swap3A_85 = vector.shape_cast %swap3A_84 : vector<16xf32> to vector<16xf32>
      %swap3A_86 = vector.shape_cast %convert_element_type3A : vector<16xf32> to vector<16xf32>
      tpu.vector_store %arg10[%swap3A_83], %swap3A_86 {strides = array<i32>} : memref<6400xf32, #tpu.memory_space<vmem>>, vector<16xf32>,
      %scan3A_87 = arith.constant 0 : i32
      scf.yield %scan3A_87 : i32
    }
    %scan3A_8 = arith.constant 400 : i32
    "tpu.region"() ({
      %run_scoped3A = tpu.sem_alloc : memref<!tpu.dma_semaphore, #tpu.memory_space<semaphore_mem>>
      %dma_start3A = tpu.memref_slice %arg6[%mul3A_2] : memref<204800xf32, #tpu.memory_space<hbm>> -> memref<6400xf32, #tpu.memory_space<hbm>>
      %dma_start3A_23 = tpu.memref_slice %arg6[%mul3A_2] : memref<204800xf32, #tpu.memory_space<hbm>> -> memref<6400xf32, #tpu.memory_space<hbm>>
      tpu.enqueue_dma source(%arg10 : memref<6400xf32, #tpu.memory_space<vmem>>) target(%dma_start3A_23 : memref<6400xf32, #tpu.memory_space<hbm>>) target_semaphore(%run_scoped3A : memref<!tpu.dma_semaphore, #tpu.memory_space<semaphore_mem>>)
      %dma_wait3A = tpu.memref_slice %arg6[%mul3A_2] : memref<204800xf32, #tpu.memory_space<hbm>> -> memref<6400xf32, #tpu.memory_space<hbm>>
      %dma_wait3A_24 = tpu.memref_slice %arg6[%mul3A_2] : memref<204800xf32, #tpu.memory_space<hbm>> -> memref<6400xf32, #tpu.memory_space<hbm>>
      tpu.wait_dma2 semaphore(%run_scoped3A : memref<!tpu.dma_semaphore, #tpu.memory_space<semaphore_mem>>) src(%arg10 : memref<6400xf32, #tpu.memory_space<vmem>>) dst(%dma_wait3A_24 : memref<6400xf32, #tpu.memory_space<hbm>>)
      tpu.yield
    }) : () -> ()
    %scan3A_9 = arith.constant 0 : i32
    %scan3A_10 = arith.constant 0 : i32
    %scan3A_11 = arith.constant 50 : i32
    %scan3A_12 = arith.addi %scan3A_10, %scan3A_11 : i32
    %scan3A_13 = arith.constant 1 : i32
    %scan3A_14 = scf.for %scan3A_23 = %scan3A_10 to %scan3A_12 step %scan3A_13 iter_args(%scan3A_24 = %scan3A_9) -> (i32)  : i32 {
      %mul3A_25 = arith.constant 128 : i32
      %mul3A_26 = arith.muli %scan3A_23, %mul3A_25 : i32
      %add3A_27 = arith.addi %mul3A_2, %mul3A_26 : i32
      %dma_start3A = arith.constant 0 : i32
      %dma_start3A_28 = tpu.memref_slice %arg5[%add3A_27, %dma_start3A] : memref<204800x256xf32, #tpu.memory_space<hbm>> -> memref<128x256xf32, #tpu.memory_space<hbm>>
      %dma_start3A_29 = arith.constant 0 : i32
      %dma_start3A_30 = tpu.memref_slice %arg5[%add3A_27, %dma_start3A_29] : memref<204800x256xf32, #tpu.memory_space<hbm>> -> memref<128x256xf32, #tpu.memory_space<hbm>>
      tpu.enqueue_dma source(%arg11 : memref<128x256xf32, #tpu.memory_space<vmem>>) target(%dma_start3A_30 : memref<128x256xf32, #tpu.memory_space<hbm>>) target_semaphore(%arg13 : memref<!tpu.dma_semaphore, #tpu.memory_space<semaphore_mem>>)
      %scan3A_31 = arith.constant 0 : i32
      scf.yield %scan3A_31 : i32
    }
    %scan3A_15 = arith.constant 50 : i32
    %scan3A_16 = arith.constant 0 : i32
    %scan3A_17 = arith.constant 0 : i32
    %scan3A_18 = arith.constant 50 : i32
    %scan3A_19 = arith.addi %scan3A_17, %scan3A_18 : i32
    %scan3A_20 = arith.constant 1 : i32
    %scan3A_21 = scf.for %scan3A_23 = %scan3A_17 to %scan3A_19 step %scan3A_20 iter_args(%scan3A_24 = %scan3A_16) -> (i32)  : i32 {
      %mul3A_25 = arith.constant 128 : i32
      %mul3A_26 = arith.muli %scan3A_23, %mul3A_25 : i32
      %add3A_27 = arith.addi %mul3A_2, %mul3A_26 : i32
      %dma_wait3A = arith.constant 0 : i32
      %dma_wait3A_28 = tpu.memref_slice %arg5[%add3A_27, %dma_wait3A] : memref<204800x256xf32, #tpu.memory_space<hbm>> -> memref<128x256xf32, #tpu.memory_space<hbm>>
      %dma_wait3A_29 = arith.constant 0 : i32
      %dma_wait3A_30 = tpu.memref_slice %arg5[%add3A_27, %dma_wait3A_29] : memref<204800x256xf32, #tpu.memory_space<hbm>> -> memref<128x256xf32, #tpu.memory_space<hbm>>
      tpu.wait_dma2 semaphore(%arg13 : memref<!tpu.dma_semaphore, #tpu.memory_space<semaphore_mem>>) src(%arg11 : memref<128x256xf32, #tpu.memory_space<vmem>>) dst(%dma_wait3A_30 : memref<128x256xf32, #tpu.memory_space<hbm>>)
      %scan3A_31 = arith.constant 0 : i32
      scf.yield %scan3A_31 : i32
    }
    %scan3A_22 = arith.constant 50 : i32
    return
  }
}

</mosaic_0001>

<sc_bundles>
// kernel: kernel.3.cloned.1.call-start
scs
__scs_entry_jumppad:
0x0: {  	(pc) =	sbr.rel $0x88, $3  }
0x1: {  	(tag) =	ssettag $0x0;
	lr =	simm.s32 $0x1  }
0x2: {  	[smem:$0x3F9E] =	sst lr;
	_ =	strace $0xD0000000  }
0x3: {  	_ = 	snop  }
0x4: {  	_ = 	snop  }
0x5: {  	_ = 	snop  }
0x6: {  	_ = 	snop  }
0x7: {  	_ = 	snop  }
__scs_overlays_trampoline_lowered:
0x8: {  	[smem:$0x3FAD] =	sst s0  }
0x9: {  	[smem:$0x3FAE] =	sst s1  }
0xa: {  	[smem:$0x3FAF] =	sst s2  }
0xb: {  	[smem:$0x3FB0] =	sst s3  }
0xc: {  	[smem:$0x3FB1] =	sst s4  }
0xd: {  	[smem:$0x3FB2] =	sst s5  }
0xe: {  	[smem:$0x3FB3] =	sst s6  }
0xf: {  	[smem:$0x3FB4] =	sst s7  }
0x10: {  	[smem:$0x3FB5] =	sst s8  }
0x11: {  	[smem:$0x3FB6] =	sst s9;
	s0 =	simm.s32 @!p0 $0x0  }
0x12: {  	s1 =	sld [smem:$0x3F9C];
	s0 =	simm.s32 @p0 $0x1  }
0x13: {  	[smem:$0x3FB7] =	sst s0;
	s0 =	simm.s32 @!p1 $0x0  }
0x14: {  	s2 =	sld [smem:$0x3F9B];
	s0 =	simm.s32 @p1 $0x1  }
0x15: {  	[smem:$0x3FB8] =	sst s0;
	s0 =	simm.s32 @!p2 $0x0  }
0x16: {  	s3 =	sld [smem:$0x3FDB];
	s0 =	simm.s32 @p2 $0x1  }
0x17: {  	s4 =	simm.s32 $0x1BF5;
	[smem:$0x3FBA] =	sst s0  }
0x18: {  	s0 =	sld [smem:$0x3F9D];
	_ =	swait.ge [sflag:s4], $0x0  }
0x19: {  	s7 =	sld [smem:$0x3F9E]  }
0x1a: {  	s8 =	sadd.s32 $0xFFFFE003, lr  }
0x1b: {  	s9 =	sadd.s32 $0xFFFFFEF7, lr;
	s5 =	simm.s32 $0xFFFFFFFF;
	p2 =	slt.u32 s8, $0xFFFFF086  }
0x1c: {  	p1 =	slt.u32 s9, $0xF7A;
	s5 =	simm.s32 @!p2 $0x0  }
0x1d: {  	s5 =	simm.s32 @p1 $0x1;
	p0 =	seq.s32 s7, s2  }
0x1e: {  	s7 =	smul.u32 @!p0 $0xF7A, s2;
	p2 =	seq.s32 @!p0 s5, $0x0  }
0x1f: {  	s9 =	smul.u32 $0xF7A, s1;
	s8 =	simm.s32 @!p0 $0x1BF5;
	p2 =	por !p2, p0  }
0x20: {  	[sflag:s8] =	ssyncset.s32 @!p0 $0xFFFFF086;
	s6 =	sadd.s32 @!p0 s3, s7;
	s7 =	simm.s32 @!p0 $0x108  }
0x21: {  	s3 =	sadd.s32 s3, s9;
	s6 =	sadd.s32 @!p0 $0x88, s6;
	s7 =	simm.s32 @p2 $0x1082  }
0x22: {  	[simem:s7], [sflag:s8] =	dma.local @!p0 [hbm:s6], $0xF7A  }
0x23: {  	s9 =	sor.u32 $0xD0000000, s2;
	s6 =	simm.s32 $0x108;
	_ =	swait.ge @!p0 [sflag:s8], $0x0  }
0x24: {  	s3 =	sadd.s32 $0x88, s3;
	s6 =	simm.s32 @!p1 $0x1082;
	[sflag:s4] =	ssyncset.s32 $0xFFFFF086  }
0x25: {  	[simem:s6], [sflag:s4] =	dma.local [hbm:s3], $0xF7A  }
0x26: {  	[smem:$0x3F9E] =	sst s1;
	(tag) =	ssettag s2;
	_ =	strace s9  }
0x27: {  	s1 =	sld [smem:$0x3FAE]  }
0x28: {  	s2 =	sld [smem:$0x3FAF]  }
0x29: {  	s4 =	sld [smem:$0x3FB1]  }
0x2a: {  	p0 =	seq.s32 s5, $0x0;
	s5 =	sld [smem:$0x3FB2]  }
0x2b: {  	s6 =	sld [smem:$0x3FB3]  }
0x2c: {  	s7 =	sld [smem:$0x3FB4]  }
0x2d: {  	s3 =	simm.s32 $0x108;
	s8 =	sld [smem:$0x3FB5]  }
0x2e: {  	s3 =	simm.s32 @!p0 $0x1082;
	s9 =	sld [smem:$0x3FB6]  }
0x2f: {  	lr =	sadd.s32 s0, s3;
	s0 =	sld [smem:$0x3FAD]  }
0x30: {  	s3 =	sld [smem:$0x3FB0]  }
0x31: {  	[smem:$0x3FB9] =	sst s10  }
0x32: {  	s10 =	sld [smem:$0x3FB7];
	_ =	sdelay $0x3  }
0x33: {  	p0 =	seq.s32 s10, $0x1;
	s10 =	sld [smem:$0x3FB9];
	_ =	sdelay $0x3  }
0x34: {  	[smem:$0x3FB9] =	sst s10  }
0x35: {  	s10 =	sld [smem:$0x3FB8];
	_ =	sdelay $0x3  }
0x36: {  	p1 =	seq.s32 s10, $0x1;
	s10 =	sld [smem:$0x3FB9];
	_ =	sdelay $0x3  }
0x37: {  	[smem:$0x3FB9] =	sst s10  }
0x38: {  	s10 =	sld [smem:$0x3FBA]  }
0x39: {  	_ = 	snop;
	(pc) =	sbr.ind lr, $3  }
0x3a: {  	_ = 	snop  }
0x3b: {  	_ = 	snop  }
0x3c: {  	p2 =	seq.s32 s10, $0x1;
	s10 =	sld [smem:$0x3FB9]  }
0x3d: {  	_ =	shalt  }
0x3e: {  	_ =	shalt  }
0x3f: {  	_ =	shalt  }
0x40: {  	_ =	shalt  }
0x41: {  	_ =	shalt  }
0x42: {  	_ =	shalt  }
0x43: {  	_ =	shalt  }
0x44: {  	_ =	shalt  }
0x45: {  	_ =	shalt  }
0x46: {  	_ =	shalt  }
0x47: {  	_ =	shalt  }
0x48: {  	_ =	shalt  }
0x49: {  	_ =	shalt  }
0x4a: {  	_ =	shalt  }
0x4b: {  	_ =	shalt  }
0x4c: {  	_ =	shalt  }
0x4d: {  	_ =	shalt  }
0x4e: {  	_ =	shalt  }
0x4f: {  	_ =	shalt  }
0x50: {  	_ =	shalt  }
0x51: {  	_ =	shalt  }
0x52: {  	_ =	shalt  }
0x53: {  	_ =	shalt  }
0x54: {  	_ =	shalt  }
0x55: {  	_ =	shalt  }
0x56: {  	_ =	shalt  }
0x57: {  	_ =	shalt  }
0x58: {  	_ =	shalt  }
0x59: {  	_ =	shalt  }
0x5a: {  	_ =	shalt  }
0x5b: {  	_ =	shalt  }
0x5c: {  	_ =	shalt  }
0x5d: {  	_ =	shalt  }
0x5e: {  	_ =	shalt  }
0x5f: {  	_ =	shalt  }
0x60: {  	_ =	shalt  }
0x61: {  	_ =	shalt  }
0x62: {  	_ =	shalt  }
0x63: {  	_ =	shalt  }
0x64: {  	_ =	shalt  }
0x65: {  	_ =	shalt  }
0x66: {  	_ =	shalt  }
0x67: {  	_ =	shalt  }
0x68: {  	_ =	shalt  }
0x69: {  	_ =	shalt  }
0x6a: {  	_ =	shalt  }
0x6b: {  	_ =	shalt  }
0x6c: {  	_ =	shalt  }
0x6d: {  	_ =	shalt  }
0x6e: {  	_ =	shalt  }
0x6f: {  	_ =	shalt  }
0x70: {  	_ =	shalt  }
0x71: {  	_ =	shalt  }
0x72: {  	_ =	shalt  }
0x73: {  	_ =	shalt  }
0x74: {  	_ =	shalt  }
0x75: {  	_ =	shalt  }
0x76: {  	_ =	shalt  }
0x77: {  	_ =	shalt  }
0x78: {  	_ =	shalt  }
0x79: {  	_ =	shalt  }
0x7a: {  	_ =	shalt  }
0x7b: {  	_ =	shalt  }
0x7c: {  	_ =	shalt  }
0x7d: {  	_ =	shalt  }
0x7e: {  	_ =	shalt  }
0x7f: {  	_ =	shalt  }
0x80: {  	_ =	shalt  }
0x81: {  	_ =	shalt  }
0x82: {  	_ =	shalt  }
0x83: {  	_ =	shalt  }
0x84: {  	_ =	shalt  }
0x85: {  	_ =	shalt  }
0x86: {  	_ =	shalt  }
0x87: {  	_ =	shalt  }
.Lfunc_end0:
.L_simem_size_0:
called_computation.1_lowered:
.L_overlay_start_0:
0x88: {  	s2 =	sld [smem:$0x3FD9]  }
0x89: {  	s3 =	sld [smem:$0x3FFE];
	_ =	sdelay $0x1  }
0x8a: {  	s1 =	srdreg.scid  }
0x8b: {  	s0 =	sand.u32 $0x1, s1  }
0x8c: {  	s14 =	sshll.u32 s0, $0xA;
	s2 =	sadd.s32 s3, s2  }
0x8d: {  	s2 =	sadd.s32 s2, s14  }
0x8e: {  	[smem:$0x3FC5] =	sst s2  }
0x8f: {  	_ = 	snop  }
0x90: {  	s2 =	sld [smem:$0x3FD0];
	_ =	sdelay $0x2  }
0x91: {  	s15 =	simm.s32 $0xA;
	s4 =	simm.s32 $0x10  }
0x92: {  	[smem:s4], [sflag:s15] =	dma.local [hbm:s2], $0x1  }
0x93: {  	_ =	swait.eq [sflag:s15], $0x1  }
0x94: {  	[sflag:s15] =	ssyncset.done $0x0  }
0x95: {  	s16 =	sld [smem:$0x10];
	[sflag:s15] =	ssyncadd.s32 $0xFFFFFFFF  }
0x96: {  	s17 =	sld [smem:$0x11];
	(tm) =	ssettm $0x1  }
0x97: {  	s18 =	sld [smem:$0x3FFB];
	_ =	sdelay $0x3  }
0x98: {  	_ =	strace s18  }
0x99: {  	s4 =	sld [smem:$0x3FFC];
	_ =	sdelay $0x3  }
0x9a: {  	_ =	strace s4  }
0x9b: {  	s4 =	sld [smem:$0x3FFD];
	_ =	sdelay $0x3  }
0x9c: {  	_ =	strace s4  }
0x9d: {  	_ =	strace $0x8FFFFFFF  }
0x9e: {  	s19 =	sld [smem:$0x3FDB];
	_ =	sdelay $0x1  }
0x9f: {  	s5 =	simm.s32 $_scs_section_size  }
0xa0: {  	s6 =	simm.s32 $_size__tile_overlayer_lowered;
	s7 =	simm.s32 $_tile_overlayer_lowered  }
0xa1: {  	s22 =	simm.s32 $0x1BFF;
	s21 =	sshll.u32 s7, $0x1;
	s4 =	sadd.s32 s5, s19  }
0xa2: {  	s8 =	simm.s32 $0x0;
	s20 =	sshll.u32 s6, $0x1;
	s6 =	sadd.s32 s21, s4  }
0xa3: {  	[timem:s8], [sflag:s22] =	dma.local [hbm:s6], s20  }
0xa4: {  	_ =	swait.ge [sflag:s22], s20  }
0xa5: {  	s5 =	ssub.s32 $0x0, s20;
	[sflag:s22] =	ssyncset.done $0x0  }
0xa6: {  	[sflag:s22] =	ssyncadd.s32 s5;
	_ =	sdelay $0x1  }
0xa7: {  	s23 =	simm.s32 $0x1B8B  }
0xa8: {  	_ =	swait.ge [sflag:s23], $0x1  }
0xa9: {  	[sflag:s23] =	ssyncset.done $0x0  }
0xaa: {  	s25 =	simm.s32 $0x1B8E;
	s24 =	sld [smem:$0x3FFE];
	[sflag:s23] =	ssyncadd.s32 $0xFFFFFFFF  }
0xab: {  	s26 =	simm.s32 $execute0_lowered;
	[smem:$0x3FD2] =	sst s25  }
0xac: {  	s6 =	sshll.u32 s26, $0x1;
	_ =	strace $0x80000046;
	[dreg:$0x1] =	wrdreg $0xFFFFFFFF  }
0xad: {  	s28 =	simm.s32 $_size_execute0_lowered;
	s4 =	sadd.s32 s4, s6;
	[dreg:$0x0] =	wrdreg $0x0  }
0xae: {  	s6 =	sshll.u32 s28, $0x1;
	[dreg:$0x2] =	wrdreg s4  }
0xaf: {  	[dreg:$0x3] =	wrdreg s6  }
0xb0: {  	[dreg:$0x4] =	wrdreg $0xC0  }
0xb1: {  	_ =	task [dreg:s8], $0x5FFFF  }
0xb2: {  	[dreg:$0x1] =	wrdreg $0xFFFFFFFF  }
0xb3: {  	[dreg:$0x0] =	wrdreg $0x60  }
0xb4: {  	[dreg:$0x2] =	wrdreg s17  }
0xb5: {  	[dreg:$0x3] =	wrdreg s24  }
0xb6: {  	[dreg:$0x4] =	wrdreg s16  }
0xb7: {  	[dreg:$0x5] =	wrdreg $0x9  }
0xb8: {  	_ =	task.clear_ibuf [dreg:s8], $0x6FFFF;
	_ =	strace $0x90000046  }
0xb9: {  	s29 =	simm.s32 $0x9;
	_ =	strace $0x80000048  }
0xba: {  	_ =	swait.ge [sflag:s29], $0x1  }
0xbb: {  	[sflag:s29] =	ssyncadd.s32 $0xFFFFFFFF  }
0xbc: {  	_ =	strace $0x90000048  }
0xbd: {  	_ =	sfence  }
0xbe: {  	s30 =	sld [smem:$0x0];
	_ =	sdelay $0x2  }
0xbf: {  	s31 =	sshll.u32 s1, $0xD;
	s1 =	sshrl.u32 s1, $0x2  }
0xc0: {  	s3 =	sand.u32 $0x4000, s31;
	s1 =	sadd.s32 s1, s30  }
0xc1: {  	s0 =	sor.u32 s3, s0;
	s1 =	sshll.u32 s1, $0x11  }
0xc2: {  	s0 =	sor.u32 s1, s0  }
0xc3: {  	s0 =	sadd.s32 $0x8F2B, s0  }
0xc4: {  	[sflag:s0] =	ssyncadd.remote.s32 $0x1  }
0xc5: {  	_ =	sfence.sel $0xFFFF  }
0xc6: {  	[dreg:$0x0] =	wrdreg $0xFFFFFFFF;
	(pc) =	sbr.abs _section_cstart, $3  }
0xc7: {  	[dreg:$0x1] =	wrdreg $0xFFFFFFFF  }
0xc8: {  	_ =	task.clear_ibuf [dreg:s8], $0x2FFFF;
	_ =	strace $0x9FFFFFFF  }
0xc9: {  	(tm) =	ssettm $0x7FFFFFFF  }
tec
execute0_lowered:
.L_overlay_start_1:
0x0: {  	(tag) =	ssettag $0x1  }
0x1: {  	s3 =	rddreg [dreg:$0x0]  }
0x2: {  	s1 =	srdreg.scid;
	s5 =	rddreg [dreg:$0x1]  }
0x3: {  	s0 =	stileid.u32;
	s7 =	rddreg [dreg:$0x2]  }
0x4: {  	s2 =	simm.s32 $0x0;
	s11 =	simm.s32 $0x6700;
	s12 =	simm.s32 $0x1  }
0x5: {  	s4 =	sand.u32 $0x1, s1;
	s31 =	sshll.u32 s0, $0x1;
	s8 =	smul.u32 $0x320000, s0  }
0x6: {  	s1 =	sor.u32 s4, s31;
	s9 =	ssub.s32 $0x2, s4;
	s4 =	smul.u32 $0x190000, s4  }
0x7: {  	s13 =	simm.s32 $0x0;
	[smem:$0x7FF] =	sst s2;
	s6 =	smul.u32 $0x320, s1  }
0x8: {  	s1 =	rddreg [dreg:$0x3];
	_ =	strace $0x80000047;
	s10 =	sshrl.u32 s9, $0x1  }
0x9: {  	s9 =	ssub.s32 s9, s10;
	s8 =	sadd.s32 s4, s8;
	s10 =	simm.s32 $0x4E00  }
0xa: {  	s5 =	sadd.s32 s6, s5;
	s3 =	sadd.s32 s3, s6;
	s8 =	sshrl.u32 s8, $0x3  }
0xb: {  	s6 =	smax.u32 s9, $0x1;
	s9 =	simm.s32 $0x1900;
	s4 =	sadd.s32 $0xE00, s5  }
0xc: {  	s5 =	sadd.s32 $0x7400, s5;
	s7 =	sadd.s32 s8, s7;
	s8 =	simm.s32 $0x2  }
.LBB2_1:
0xd: {  	[tilespmem:s2], [sflag:$0x2] =	stream.linear.gather [hbm4b:s3+s2], $0x1900, $0x38;
	[tilespmem:$0xE700] =	vst v63  }
0xe: {  	_ =	swait.ge [sflag:s8], $0x1900  }
0xf: {  	[sflag:s8] =	ssyncset.done $0x0  }
0x10: {  	[sflag:s8] =	ssyncadd.s32 $0xFFFFE700  }
0x11: {  	[tilespmem:s9], [sflag:$0x2] =	stream.linear.gather [hbm4b:s4+s2], $0x1900, $0x38;
	[tilespmem:$0xE700] =	vst v63  }
0x12: {  	_ =	swait.ge [sflag:s8], $0x1900  }
0x13: {  	[sflag:s8] =	ssyncset.done $0x0  }
0x14: {  	s14 =	simm.s32 $0x0;
	[sflag:s8] =	ssyncadd.s32 $0xFFFFE700  }
0x15: {  	v0 =	vld [tilespmem:s14+$0x0];
	_ =	sdelay $0x2  }
0x16: {  	v1 =	vld [tilespmem:s14+$0x1900];
	_ =	sdelay $0x1  }
0x17: {  	v0 =	vadd.s32 $0x1, v0  }
0x18: {  	vm0 =	vgt.s32 v0, $0x0  }
0x19: {  	s15 =	sand.u32 $0x7E00, s2;
	v0 =	vnsel vm0, $0x0, v0  }
0x1a: {  	s16 =	sand.u32 $0x70, s2;
	s17 =	sshrl.u32 s15, $0x2;
	vm15 =	vgt.s32 v1, $0x0;
	v0 =	vmin.u32 v0, $0x7  }
0x1b: {  	s18 =	simm.s32 $0x10;
	s16 =	sor.u32 s16, s17;
	v2 =	vnsel vm15, $0x8, v0;
	v0 =	vcvt.s32.f32 v1  }
0x1c: {  	s15 =	simm.s32 $0x40;
	s17 =	simm.s32 $0x80;
	[tilespmem:s16+$0x3200] =	vst v2;
	s16 =	simm.s32 $0x0  }
.LBB2_2:
0x1d: {  	p0 =	sne.s32 s17, $0x63C0;
	v1 =	vld [tilespmem:s18+$0x0];
	[tilespmem:s14+$0x4E00] =	vst v0;
	s14 =	smov.u32 s18;
	_ =	sdelay $0x2  }
0x1e: {  	v0 =	vld [tilespmem:s14+$0x1900];
	_ =	sdelay $0x1  }
0x1f: {  	v1 =	vadd.s32 $0x1, v1  }
.Ltmp0:
0x20: {  	vm0 =	vgt.s32 v1, $0x0;
	(pc) =	sbr.rel @p0 .LBB2_2-.Ltmp0, $4  }
0x21: {  	s18 =	sand.u32 $0x7E00, s15;
	s16 =	sadd.s32 $0x10, s16;
	s15 =	smov.u32 s17;
	v1 =	vnsel vm0, $0x0, v1  }
0x22: {  	s19 =	sand.u32 $0x70, s16;
	s18 =	sshrl.u32 s18, $0x2;
	v1 =	vmin.u32 v1, $0x7;
	vm0 =	vgt.s32 v0, $0x0;
	v0 =	vcvt.s32.f32 v0  }
0x23: {  	s19 =	sor.u32 s19, s18;
	v1 =	vnsel vm0, $0x8, v1  }
0x24: {  	s17 =	sadd.s32 $0x40, s17;
	s18 =	sshra.s32 s15, $0x2;
	[tilespmem:s19+$0x3200] =	vst v1  }
0x25: {  	v1 =	vld [tilespmem:s18+$0x0];
	_ =	sdelay $0x1  }
0x26: {  	[tilespmem:s14+$0x4E00] =	vst v0  }
0x27: {  	v0 =	vld [tilespmem:s18+$0x1900];
	_ =	sdelay $0x1  }
0x28: {  	v1 =	vadd.s32 $0x1, v1  }
0x29: {  	vm0 =	vgt.s32 v1, $0x0  }
0x2a: {  	s30 =	sand.u32 $0x7E00, s15;
	s31 =	sadd.s32 $0x10, s16;
	v1 =	vnsel vm0, $0x0, v1  }
0x2b: {  	s15 =	sand.u32 $0x70, s31;
	s14 =	sshrl.u32 s30, $0x2;
	vm15 =	vgt.s32 v0, $0x0;
	v1 =	vmin.u32 v1, $0x7  }
0x2c: {  	s14 =	sor.u32 s15, s14;
	v0 =	vcvt.s32.f32 v0;
	v1 =	vnsel vm15, $0x8, v1  }
0x2d: {  	[tilespmem:s14+$0x3200] =	vst v1  }
0x2e: {  	s14 =	simm.s32 $0x0;
	[tilespmem:s18+$0x4E00] =	vst v0  }
0x2f: {  	[hbm4b:s5+s14] =	stream.linear.scatter [tilespmem:s10], [sflag:$0x2], $0x1900, $0x38;
	[tilespmem:$0xE700] =	vst v63  }
0x30: {  	_ =	swait.ge [sflag:s8], $0x1900  }
0x31: {  	[sflag:s8] =	ssyncset.done $0x0  }
0x32: {  	[sflag:s8] =	ssyncadd.s32 $0xFFFFE700  }
.LBB2_4:
0x33: {  	p0 =	sne.s32 s14, $0x31000  }
.Ltmp1:
0x34: {  	_ = 	snop;
	(pc) =	sbr.rel @p0 .LBB2_4-.Ltmp1, $3  }
0x35: {  	_ =	sdelay $0x1  }
0x36: {  	s15 =	sadd.s32 s14, s7;
	s14 =	sadd.s32 $0x1000, s14  }
0x37: {  	[hbm4b:s15+s2] =	stream.linear.scatter [tilespmem:s11], [sflag:$0x1], $0x8000, $0x38;
	[tilespmem:$0xE700] =	vst v63  }
0x38: {  	_ =	swait.ge [sflag:s12], $0x8000  }
0x39: {  	s14 =	simm.s32 $0x31;
	[sflag:s12] =	ssyncset.done $0x0  }
.LBB2_6:
0x3a: {  	p0 =	sne.s32 s14, $0x1;
	s14 =	sadd.s32 $0xFFFFFFFF, s14;
	[sflag:s12] =	ssyncadd.s32 $0xFFFF8000  }
.Ltmp2:
0x3b: {  	(pc) =	sbr.rel @p0 .LBB2_6-.Ltmp2, $3  }
0x3c: {  	_ =	sdelay $0x1  }
0x3d: {  	_ =	swait.ge [sflag:s12], $0x8000  }
0x3e: {  	[sflag:s12] =	ssyncset.done $0x0  }
0x3f: {  	s13 =	sadd.s32 $0x1, s13  }
0x40: {  	p0 =	sne.s32 s13, s6  }
.Ltmp3:
0x41: {  	_ = 	snop;
	(pc) =	sbr.rel @p0 .LBB2_1-.Ltmp3, $2  }
0x42: {  	_ =	sdelay $0x2  }
0x43: {  	[sflag:s12] =	ssyncadd.s32 $0xFFFF8000  }
0x44: {  	_ =	sfence.sel $0x180000  }
0x45: {  	[bflag:$0x0] =	sbarrier.arrive $0xFFFF  }
0x46: {  	p0 =	sne.s32 s0, $0x0;
	_ =	strace $0x90000047  }
0x47: {  	s0 =	sadd.s32 @!p0 $0x100000, s1;
	[bflag:$0x2] =	sbarrier.arrive $0xFFFF  }
0x48: {  	[sflag:s0] =	ssyncadd.tile.s32 @!p0 $0x1;
	_ =	shalt  }
.Lfunc_end2:
_tile_overlayer_lowered:
.L_overlay_start_2:
0x49: {  	(tag) =	ssettag $0x2  }
0x4a: {  	s0 =	rddreg [dreg:$0x0];
	s2 =	stileid.u32  }
0x4b: {  	s1 =	rddreg [dreg:$0x1];
	p0 =	sne.s32 s2, $0x0  }
0x4c: {  	s3 =	rddreg [dreg:$0x2];
	[bflag:$0x3] =	sbarrier.arrive $0xFFFF;
	s2 =	simm.s32 @!p0 $0x1C02  }
0x4d: {  	[timem:s3], [sflag:s2] =	dma.local @!p0 [hbm:s0], s1  }
0x4e: {  	s0 =	simm.s32 @!p0 $0x2  }
0x4f: {  	_ =	swait.ge @!p0 [sflag:s0], s1  }
0x50: {  	s1 =	ssub.s32 @!p0 $0x0, s1;
	[sflag:s0] =	ssyncset.done @!p0 $0x0  }
0x51: {  	[sflag:s0] =	ssyncadd.s32 @!p0 s1  }
0x52: {  	[bflag:$0x3] =	sbarrier.arrive $0xFFFF  }
0x53: {  	_ =	shalt  }

// kernel: sparse-core-data-format-call.cloned.1.call-start
scs
called_computation_lowered:
.L_overlay_start_0:
0x0: {  	s2 =	sld [smem:$0x3FD9]  }
0x1: {  	s3 =	sld [smem:$0x3FFE];
	_ =	sdelay $0x1  }
0x2: {  	s1 =	srdreg.scid  }
0x3: {  	s0 =	sand.u32 $0x1, s1  }
0x4: {  	s15 =	sshll.u32 s0, $0xA;
	s2 =	sadd.s32 s3, s2  }
0x5: {  	s2 =	sadd.s32 s2, s15  }
0x6: {  	[smem:$0x3FC5] =	sst s2  }
0x7: {  	_ = 	snop  }
0x8: {  	s2 =	sld [smem:$0x3FD0];
	_ =	sdelay $0x2  }
0x9: {  	s16 =	simm.s32 $0xA;
	s4 =	simm.s32 $0x10  }
0xa: {  	[smem:s4], [sflag:s16] =	dma.local [hbm:s2], $0x1  }
0xb: {  	_ =	swait.eq [sflag:s16], $0x1  }
0xc: {  	[sflag:s16] =	ssyncset.done $0x0  }
0xd: {  	[sflag:s16] =	ssyncadd.s32 $0xFFFFFFFF  }
0xe: {  	s17 =	sld [smem:$0x10];
	(tm) =	ssettm $0x1  }
0xf: {  	s18 =	sld [smem:$0x3FFB];
	_ =	sdelay $0x3  }
0x10: {  	_ =	strace s18  }
0x11: {  	s3 =	sld [smem:$0x3FFC];
	_ =	sdelay $0x3  }
0x12: {  	_ =	strace s3  }
0x13: {  	s3 =	sld [smem:$0x3FFD];
	_ =	sdelay $0x3  }
0x14: {  	_ =	strace s3  }
0x15: {  	_ =	strace $0x8FFFFFFF  }
0x16: {  	s19 =	sld [smem:$0x3FDB];
	_ =	sdelay $0x1  }
0x17: {  	s20 =	simm.s32 $_scs_section_size  }
0x18: {  	s5 =	simm.s32 $_size__tile_overlayer_lowered;
	s6 =	simm.s32 $_tile_overlayer_lowered  }
0x19: {  	s23 =	simm.s32 $0x1BFF;
	s22 =	sshll.u32 s6, $0x1;
	s3 =	sadd.s32 s20, s19  }
0x1a: {  	s7 =	simm.s32 $0x0;
	s21 =	sshll.u32 s5, $0x1;
	s5 =	sadd.s32 s22, s3  }
0x1b: {  	[timem:s7], [sflag:s23] =	dma.local [hbm:s5], s21  }
0x1c: {  	_ =	swait.ge [sflag:s23], s21  }
0x1d: {  	s4 =	ssub.s32 $0x0, s21;
	[sflag:s23] =	ssyncset.done $0x0  }
0x1e: {  	[sflag:s23] =	ssyncadd.s32 s4;
	_ =	sdelay $0x1  }
0x1f: {  	s24 =	simm.s32 $0x1B8B  }
0x20: {  	_ =	swait.ge [sflag:s24], $0x1  }
0x21: {  	[sflag:s24] =	ssyncset.done $0x0  }
0x22: {  	s26 =	simm.s32 $0x1B8E;
	s25 =	sld [smem:$0x3FFE];
	[sflag:s24] =	ssyncadd.s32 $0xFFFFFFFF  }
0x23: {  	s27 =	simm.s32 $execute0_lowered;
	[smem:$0x3FD2] =	sst s26  }
0x24: {  	s5 =	sshll.u32 s27, $0x1;
	_ =	strace $0x80000049;
	[dreg:$0x1] =	wrdreg $0xFFFFFFFF  }
0x25: {  	s28 =	simm.s32 $_size_execute0_lowered;
	s3 =	sadd.s32 s3, s5;
	[dreg:$0x0] =	wrdreg $0x0  }
0x26: {  	s5 =	sshll.u32 s28, $0x1;
	[dreg:$0x2] =	wrdreg s3  }
0x27: {  	[dreg:$0x3] =	wrdreg s5  }
0x28: {  	[dreg:$0x4] =	wrdreg $0xC0  }
0x29: {  	_ =	task [dreg:s7], $0x5FFFF  }
0x2a: {  	[dreg:$0x1] =	wrdreg $0xFFFFFFFF  }
0x2b: {  	[dreg:$0x0] =	wrdreg $0x60  }
0x2c: {  	[dreg:$0x2] =	wrdreg s25  }
0x2d: {  	[dreg:$0x3] =	wrdreg s17  }
0x2e: {  	[dreg:$0x4] =	wrdreg $0x9  }
0x2f: {  	_ =	task.clear_ibuf [dreg:s7], $0x5FFFF;
	_ =	strace $0x90000049  }
0x30: {  	s29 =	simm.s32 $0x9;
	_ =	strace $0x8000004B  }
0x31: {  	_ =	swait.ge [sflag:s29], $0x1  }
0x32: {  	[sflag:s29] =	ssyncadd.s32 $0xFFFFFFFF  }
0x33: {  	_ =	strace $0x9000004B  }
0x34: {  	_ =	sfence  }
0x35: {  	s30 =	sld [smem:$0x0];
	_ =	sdelay $0x2  }
0x36: {  	s31 =	sshll.u32 s1, $0xD;
	s1 =	sshrl.u32 s1, $0x2  }
0x37: {  	s3 =	sand.u32 $0x4000, s31;
	s1 =	sadd.s32 s1, s30  }
0x38: {  	s0 =	sor.u32 s3, s0;
	s1 =	sshll.u32 s1, $0x11  }
0x39: {  	s0 =	sor.u32 s1, s0  }
0x3a: {  	s0 =	sadd.s32 $0x8F2B, s0  }
0x3b: {  	[sflag:s0] =	ssyncadd.remote.s32 $0x1  }
0x3c: {  	_ =	sfence.sel $0xFFFF  }
0x3d: {  	[dreg:$0x0] =	wrdreg $0xFFFFFFFF;
	(pc) =	sbr.abs _section_cstart, $3  }
0x3e: {  	[dreg:$0x1] =	wrdreg $0xFFFFFFFF  }
0x3f: {  	_ =	task.clear_ibuf [dreg:s7], $0x2FFFF;
	_ =	strace $0x9FFFFFFF  }
0x40: {  	(tm) =	ssettm $0x7FFFFFFF  }
0x41: {  	_ =	shalt  }
tec
execute0_lowered:
.L_overlay_start_1:
0x0: {  	(tag) =	ssettag $0x1  }
0x1: {  	s0 =	srdreg.scid  }
0x2: {  	s1 =	sshll.u32 s0, $0x4  }
0x3: {  	s6 =	rddreg [dreg:$0x0];
	s0 =	stileid.u32;
	s1 =	sand.u32 $0x10, s1  }
0x4: {  	s3 =	rddreg [dreg:$0x1];
	s1 =	sor.u32 s0, s1  }
0x5: {  	s5 =	simm.s32 $0x1;
	s31 =	simm.s32 $0x2;
	s2 =	sshll.u32 s1, $0x7  }
0x6: {  	s13 =	simm.s32 $0x0;
	s8 =	simm.s32 $0x8000;
	s4 =	ssub.s32 $0x1000, s2  }
0x7: {  	s15 =	simm.s32 $0x0;
	s14 =	simm.s32 $0x0;
	s30 =	sand.u32 $0xF80, s4  }
0x8: {  	s9 =	simm.s32 $0x0;
	s10 =	simm.s32 $0x0;
	p0 =	sne.s32 s30, $0x0  }
.Ltmp0:
0x9: {  	s7 =	sshrl.u32 s4, $0xC;
	s5 =	simm.s32 @!p0 $0x0;
	(pc) =	sbr.rel .LBB1_1-.Ltmp0, $4  }
0xa: {  	s12 =	simm.s32 $0x0;
	s1 =	rddreg [dreg:$0x2];
	s5 =	sadd.s32 s5, s7  }
0xb: {  	_ =	strace $0x8000004A;
	s4 =	simm.s32 $0x1;
	s5 =	smul.u32 $0xC8, s5  }
0xc: {  	s6 =	sadd.s32 $0xD800, s6;
	s11 =	smov.u32 s2;
	[sflag:s4] =	ssyncpa.u1 $0x0  }
0xd: {  	[sflag:s31] =	ssyncpa.u1 $0x0;
	p0 =	por $0x0, $0x0;
	s7 =	sor.u32 $0x1, s5  }
.LBB1_4:
0xe: {  	s18 =	sshll.u32 s14, $0x3  }
0xf: {  	s19 =	sand.u32 $0x78, s14;
	s20 =	sand.u32 $0x7E00, s14;
	s15 =	sshll.u32 s15, $0x11  }
0x10: {  	s13 =	sshll.u32 s13, $0xF;
	s18 =	sand.u32 $0xC00, s18;
	s30 =	sadd.s32 s3, s20  }
0x11: {  	[tilespmem:s17+$0x810 ss:$0x81] =	vst.msk $0xffff, v2;
	s31 =	sand.u32 $0x7, s14;
	s18 =	sor.u32 s19, s18;
	s15 =	sadd.s32 s15, s30  }
0x12: {  	[tilespmem:s17+$0x1020 ss:$0x81] =	vst.msk $0xffff, v0;
	s14 =	sshll.u32 s31, $0x12;
	s18 =	sshrl.u32 s18, $0x3;
	s13 =	sadd.s32 s13, s15  }
0x13: {  	[tilespmem:s17+$0x0 ss:$0x81] =	vst.msk $0xffff, v1;
	s14 =	sor.u32 $0x400, s14;
	s13 =	sadd.s32 s18, s13  }
0x14: {  	[hbm4b:s13+s14] =	stream.strided.scatter [tilespmem:s16], [sflag:$0x2], $0x2000, s8, s14, $0x20;
	[tilespmem:$0x8080] =	vst v63  }
.LBB1_5:
0x15: {  	s16 =	sadd.s32 $0x1, s9  }
0x16: {  	s13 =	simm.s32 $0x1;
	p2 =	sgt.s32 s16, $0x3  }
0x17: {  	s13 =	simm.s32 @!p2 $0x0  }
0x18: {  	s17 =	sadd.s32 s13, s10  }
0x19: {  	s19 =	smov.u32 s11;
	s13 =	sadd.s32 $0x1000, s11;
	p3 =	sgt.s32 s17, $0x31  }
0x1a: {  	s19 =	smov.u32 @p3 s13  }
0x1b: {  	p1 =	slt.u32 s12, $0x2;
	s16 =	simm.s32 @p2 $0x0;
	p2 =	sgt.s32 s19, $0xFFF  }
0x1c: {  	s18 =	simm.s32 @!p1 $0x2;
	s19 =	smov.u32 @p2 s2;
	p2 =	sne.s32 s12, s7  }
.Ltmp1:
0x1d: {  	_ =	swait.ge @!p1 [sflag:s18], $0x2000;
	(pc) =	sbr.rel @!p2 .LBB1_6-.Ltmp1, $4  }
0x1e: {  	s15 =	smov.u32 s10;
	[sflag:s18] =	ssyncset.done @!p1 $0x0  }
0x1f: {  	s14 =	smov.u32 s11;
	p0 =	por !p0, !p0;
	[sflag:s18] =	ssyncadd.s32 @!p1 $0xFFFFE000  }
0x20: {  	s17 =	simm.s32 @p3 $0x0;
	s13 =	smov.u32 s9;
	s9 =	smov.u32 s16  }
0x21: {  	s10 =	smov.u32 s17;
	s12 =	sadd.s32 $0x1, s12;
	s11 =	smov.u32 s19  }
.LBB1_1:
0x22: {  	p1 =	sge.u32 s12, s5  }
0x23: {  	s17 =	smul.u32 @!p1 $0xC80, s11  }
0x24: {  	s31 =	sadd.s32 $0xFFFFFFFF, s12;
	s16 =	sxor.u32 @!p1 $0xFFFFFFFF, s12;
	s18 =	sshll.u32 @!p1 s10, $0x6  }
0x25: {  	s19 =	sshll.u32 @!p1 s9, $0x4;
	s16 =	sshll.u32 @!p1 s16, $0xD;
	s17 =	sadd.s32 @!p1 s6, s17  }
0x26: {  	s19 =	sand.u32 @!p1 $0x30, s19;
	s16 =	sand.u32 @!p1 $0x2000, s16;
	s17 =	sadd.s32 @!p1 s18, s17  }
0x27: {  	s18 =	simm.s32 @!p1 $0x40;
	s17 =	sadd.s32 @!p1 s19, s17;
	s19 =	simm.s32 @!p1 $0x6400  }
0x28: {  	[tilespmem:s16], [sflag:$0x1] =	stream.strided.gather @!p1 [hbm4b:s17+s18], $0x2000, s19, s18, $0x38;
	[tilespmem:$0x8080] =	vst v63  }
0x29: {  	p1 =	sge.u32 s31, s5  }
.Ltmp2:
0x2a: {  	_ = 	snop;
	(pc) =	sbr.rel @p1 .LBB1_5-.Ltmp2, $1  }
0x2b: {  	_ =	sdelay $0x3  }
0x2c: {  	s16 =	simm.s32 $0x1  }
0x2d: {  	_ =	swait.ge [sflag:s4], $0x2000;
	s16 =	simm.s32 @!p0 $0x0  }
0x2e: {  	[sflag:s4] =	ssyncset.done $0x0;
	s17 =	sshll.u32 s16, $0xD  }
0x2f: {  	[sflag:s4] =	ssyncadd.s32 $0xFFFFE000;
	s20 =	sor.u32 $0x20, s17  }
0x30: {  	s16 =	smul.u32 $0x8100, s16;
	v3 =	vld [tilespmem:s20+$0x10]  }
0x31: {  	s30 =	sand.u32 $0x1, s12;
	v2 =	vld [tilespmem:s20+$0xFFFFFFF0]  }
0x32: {  	s17 =	smul.u32 $0x8100, s30;
	s16 =	sshrl.u32 s16, $0x2;
	v0 =	vld [tilespmem:s20+$0x0]  }
0x33: {  	v1 =	vld [tilespmem:s20+$0xFFFFFFE0];
	s18 =	sor.u32 $0x4000, s16  }
0x34: {  	s31 =	sshrl.u32 s17, $0x2;
	s17 =	sadd.s32 $0x0, s18  }
0x35: {  	s19 =	simm.s32 $0x4;
	s20 =	sadd.s32 $0x40, s20;
	s16 =	sor.u32 $0x4000, s31;
	[tilespmem:s17+$0x1830 ss:$0x81] =	vst.msk $0xffff, v3  }
.LBB1_3:
0x36: {  	v3 =	vld [tilespmem:s20+$0x10];
	p1 =	sne.s32 s19, $0x1FC;
	[tilespmem:s17+$0x810 ss:$0x81] =	vst.msk $0xffff, v2;
	s21 =	smov.u32 s19;
	s19 =	sadd.s32 $0x4, s19  }
.Ltmp3:
0x37: {  	v2 =	vld [tilespmem:s20+$0xFFFFFFF0];
	[tilespmem:s17+$0x1020 ss:$0x81] =	vst.msk $0xffff, v0;
	(pc) =	sbr.rel @p1 .LBB1_3-.Ltmp3, $4  }
0x38: {  	v0 =	vld [tilespmem:s20+$0x0];
	[tilespmem:s17+$0x0 ss:$0x81] =	vst.msk $0xffff, v1  }
0x39: {  	s17 =	sshra.s32 s21, $0x2;
	v1 =	vld [tilespmem:s20+$0xFFFFFFE0]  }
0x3a: {  	s17 =	sadd.s32 s17, s18  }
0x3b: {  	s20 =	sadd.s32 $0x40, s20;
	[tilespmem:s17+$0x1830 ss:$0x81] =	vst.msk $0xffff, v3  }
.Ltmp4:
0x3c: {  	_ = 	snop;
	(pc) =	sbr.rel .LBB1_4-.Ltmp4, $1  }
0x3d: {  	_ =	sdelay $0x3  }
.LBB1_6:
0x3e: {  	_ =	sfence.sel $0x180000  }
0x3f: {  	s2 =	simm.s32 $0x1;
	[bflag:$0x0] =	sbarrier.arrive $0xFFFF  }
0x40: {  	s31 =	simm.s32 $0x2;
	[sflag:s2] =	ssyncpa.u1 $0x1  }
0x41: {  	[sflag:s31] =	ssyncpa.u1 $0x1  }
0x42: {  	p0 =	sne.s32 s0, $0x0;
	_ =	strace $0x9000004A  }
0x43: {  	s0 =	sadd.s32 @!p0 $0x100000, s1;
	[bflag:$0x2] =	sbarrier.arrive $0xFFFF  }
0x44: {  	[sflag:s0] =	ssyncadd.tile.s32 @!p0 $0x1;
	_ =	shalt  }
.Lfunc_end1:
_tile_overlayer_lowered:
.L_overlay_start_2:
0x45: {  	(tag) =	ssettag $0x2  }
0x46: {  	s0 =	rddreg [dreg:$0x0];
	s2 =	stileid.u32  }
0x47: {  	s1 =	rddreg [dreg:$0x1];
	p0 =	sne.s32 s2, $0x0  }
0x48: {  	s3 =	rddreg [dreg:$0x2];
	[bflag:$0x3] =	sbarrier.arrive $0xFFFF;
	s2 =	simm.s32 @!p0 $0x1C01  }
0x49: {  	[timem:s3], [sflag:s2] =	dma.local @!p0 [hbm:s0], s1  }
0x4a: {  	s0 =	simm.s32 @!p0 $0x1  }
0x4b: {  	_ =	swait.ge @!p0 [sflag:s0], s1  }
0x4c: {  	s1 =	ssub.s32 @!p0 $0x0, s1;
	[sflag:s0] =	ssyncset.done @!p0 $0x0  }
0x4d: {  	[sflag:s0] =	ssyncadd.s32 @!p0 s1  }
0x4e: {  	[bflag:$0x3] =	sbarrier.arrive $0xFFFF  }
0x4f: {  	_ =	shalt  }

</sc_bundles>
